<compile_context>
chip_gen: v7x
topology: tpu7x:2x2x1
jax: 0.10.2.dev20260603
libtpu: 0.0.44.dev20260713+nightly
codegen_flags: <defaults>
</compile_context>

<pallas_src>
import functools

import jax
import jax.numpy as jnp
from jax import lax
from jax.experimental import pallas as pl
from jax.experimental.pallas import tpu as pltpu
from jax.experimental.pallas import tpu_sc as plsc

STORAGE_SIZE = 100000
FEATURES_SIZE = 64
BATCH = 4096

_info = plsc.get_sparse_core_info()
_NC, _NS = _info.num_cores, _info.num_subcores
_NW = _NC * _NS
_BPW = BATCH // _NW
_L = 16

_mesh = plsc.VectorSubcoreMesh(core_axis_name="c", subcore_axis_name="s")


@functools.partial(
    pl.kernel,
    mesh=_mesh,
    out_type=jax.ShapeDtypeStruct((BATCH, FEATURES_SIZE), jnp.float32),
    scratch_types=[
        pltpu.VMEM((_BPW,), jnp.int32),
        pltpu.VMEM((_BPW, FEATURES_SIZE), jnp.float32),
        pltpu.SemaphoreType.DMA,
    ],
)
def _gather_kernel(idx_hbm, tab4_hbm, out_hbm, idx_v, rows_v, sem):
    wid = lax.axis_index("s") * _NC + lax.axis_index("c")
    base = wid * _BPW
    pltpu.sync_copy(idx_hbm.at[pl.ds(base, _BPW)], idx_v)

    def issue(c, carry):
        rv = idx_v[pl.ds(c * _L, _L)]
        tv = lax.shift_right_logical(rv, 3)
        sv = lax.rem(rv, 8)
        for j in range(_L):
            pltpu.async_copy(tab4_hbm.at[tv[j], sv[j]],
                             rows_v.at[c * _L + j], sem)
        return carry

    lax.fori_loop(0, _BPW // _L, issue, 0)
    pltpu.make_async_copy(out_hbm.at[pl.ds(base, _BPW)], rows_v, sem).wait()
    pltpu.sync_copy(rows_v, out_hbm.at[pl.ds(base, _BPW)])


@jax.jit
def kernel(indexes, table):
    tab4 = table.reshape(STORAGE_SIZE // 8, 8, FEATURES_SIZE)
    return _gather_kernel(indexes.astype(jnp.int32), tab4)

# --- scband reference (transcript-rebuilt; emitter-appended) ---
"""Pipeline reference for scband-indexed-storage-61400852464040 (READ-ONLY COPY).

The authoritative reference and input builder live on the scoring server;
editing this copy changes nothing except your own understanding.
"""

import jax, jax.numpy as jnp
import numpy as np

STORAGE_SIZE = 100000
FEATURES_SIZE = 64
BATCH = 4096


def setup_inputs(seed: int = 0) -> dict:
    key = jax.random.key(seed)
    k_idx, k_tab = jax.random.split(key)
    indexes = jax.random.randint(k_idx, (BATCH,), 0, STORAGE_SIZE, dtype=jnp.int64 if jax.config.jax_enable_x64 else jnp.int32)
    # Learned storage: equivalent to the ParameterList of storage_size rows,
    # each a float32 vector of features_size, randn-initialized.
    table = jax.random.normal(k_tab, (STORAGE_SIZE, FEATURES_SIZE), dtype=jnp.float32)
    return {"indexes": indexes, "table": table}


def reference(indexes, table):
    # Faithful translation of IndexedStorage.forward:
    # flatten indexes (already 1-D here), gather each row from the stacked
    # parameter storage, then reshape to (*index_dims, features_size).
    index_dimensions = indexes.shape
    flat_indexes = indexes.reshape(-1)
    selected_entries = jnp.take(table, flat_indexes, axis=0)
    selected_entries = selected_entries.reshape(index_dimensions + (FEATURES_SIZE,))
    return selected_entries

if __name__ == "__main__":
    import jax
    _d = setup_inputs()
    print(jax.jit(kernel)(*tuple(_d.values())))

</pallas_src>

<mosaic_0001>
#map = affine_map<(d0, d1) -> (0)>
#map1 = affine_map<(d0, d1) -> (0, 0, 0)>
#map2 = affine_map<(d0, d1) -> (0, 0)>
module attributes {stable_mosaic.version = 14 : i64} {
  func.func @_gather_kernel(%arg0: i32, %arg1: i32, %arg2: memref<4096xi32, #tpu.memory_space<hbm>>, %arg3: memref<12500x8x64xf32, #tpu.memory_space<hbm>>, %arg4: memref<4096x64xf32, #tpu.memory_space<hbm>>, %arg5: memref<128xi32, #tpu.memory_space<vmem>>, %arg6: memref<128x64xf32, #tpu.memory_space<vmem>>, %arg7: memref<!tpu.dma_semaphore, #tpu.memory_space<semaphore_mem>>) attributes {dimension_semantics = [#tpu.dimension_semantics<core_parallel>, #tpu.dimension_semantics<subcore_parallel>], iteration_bounds = array<i64: 2, 16>, scalar_prefetch = 0 : i64, scratch_operands = 3 : i64, tpu.core_type = #tpu.core_type<sc_vector_subcore>, window_params = [{transform_indices = #map}, {transform_indices = #map1}, {transform_indices = #map2}]} {
    %mul3A = arith.constant 2 : i32
    %mul3A_0 = arith.muli %arg1, %mul3A : i32
    %add3A = arith.addi %mul3A_0, %arg0 : i32
    %mul3A_1 = arith.constant 128 : i32
    %mul3A_2 = arith.muli %add3A, %mul3A_1 : i32
    "tpu.region"() ({
      %run_scoped3A = tpu.sem_alloc : memref<!tpu.dma_semaphore, #tpu.memory_space<semaphore_mem>>
      %dma_start3A = tpu.memref_slice %arg2[%mul3A_2] : memref<4096xi32, #tpu.memory_space<hbm>> -> memref<128xi32, #tpu.memory_space<hbm>>
      %dma_start3A_11 = tpu.memref_slice %arg2[%mul3A_2] : memref<4096xi32, #tpu.memory_space<hbm>> -> memref<128xi32, #tpu.memory_space<hbm>>
      tpu.enqueue_dma source(%dma_start3A_11 : memref<128xi32, #tpu.memory_space<hbm>>) target(%arg5 : memref<128xi32, #tpu.memory_space<vmem>>) target_semaphore(%run_scoped3A : memref<!tpu.dma_semaphore, #tpu.memory_space<semaphore_mem>>)
      %dma_wait3A_12 = tpu.memref_slice %arg2[%mul3A_2] : memref<4096xi32, #tpu.memory_space<hbm>> -> memref<128xi32, #tpu.memory_space<hbm>>
      %dma_wait3A_13 = tpu.memref_slice %arg2[%mul3A_2] : memref<4096xi32, #tpu.memory_space<hbm>> -> memref<128xi32, #tpu.memory_space<hbm>>
      tpu.wait_dma2 semaphore(%run_scoped3A : memref<!tpu.dma_semaphore, #tpu.memory_space<semaphore_mem>>) src(%dma_wait3A_13 : memref<128xi32, #tpu.memory_space<hbm>>) dst(%arg5 : memref<128xi32, #tpu.memory_space<vmem>>)
      tpu.yield
    }) : () -> ()
    %scan3A = arith.constant 0 : i32
    %scan3A_3 = arith.constant 0 : i32
    %scan3A_4 = arith.constant 8 : i32
    %scan3A_5 = arith.addi %scan3A_3, %scan3A_4 : i32
    %scan3A_6 = arith.constant 1 : i32
    scf.for %scan3A_11 = %scan3A_3 to %scan3A_5 step %scan3A_6  : i32 {
      %mul3A_12 = arith.constant 16 : i32
      %mul3A_13 = arith.muli %scan3A_11, %mul3A_12 : i32
      %get3A = arith.index_cast %mul3A_13 : i32 to index
      %get3A_14 = tpu.vector_load %arg5[%get3A] {strides = array<i32>} : memref<128xi32, #tpu.memory_space<vmem>>, vector<16xi32>,
      %get3A_15 = vector.shape_cast %get3A_14 : vector<16xi32> to vector<16xi32>
      %shift_right_logical3A = arith.constant 3 : i32
      %shift_right_logical3A_16 = vector.broadcast %shift_right_logical3A : i32 to vector<16xi32>
      %shift_right_logical3A_17 = arith.shrui %get3A_15, %shift_right_logical3A_16 : vector<16xi32>
      %rem3A = arith.constant 8 : i32
      %rem3A_18 = vector.broadcast %rem3A : i32 to vector<16xi32>
      %rem3A_19 = arith.remsi %get3A_15, %rem3A_18 : vector<16xi32>
      %slice3A = vector.extract_strided_slice %shift_right_logical3A_17 {offsets = [0], sizes = [1], strides = [1]} : vector<16xi32> to vector<1xi32>
      %squeeze3A = vector.extract %slice3A[0] : i32 from vector<1xi32>
      %slice3A_20 = vector.extract_strided_slice %rem3A_19 {offsets = [0], sizes = [1], strides = [1]} : vector<16xi32> to vector<1xi32>
      %squeeze3A_21 = vector.extract %slice3A_20[0] : i32 from vector<1xi32>
      %mul3A_22 = arith.constant 16 : i32
      %mul3A_23 = arith.muli %scan3A_11, %mul3A_22 : i32
      %add3A_24 = arith.constant 0 : i32
      %add3A_25 = arith.addi %mul3A_23, %add3A_24 : i32
      %dma_start3A = arith.constant 0 : i32
      %dma_start3A_26 = tpu.memref_slice %arg6[%add3A_25, %dma_start3A] : memref<128x64xf32, #tpu.memory_space<vmem>> -> memref<1x64xf32, #tpu.memory_space<vmem>>
      %dma_start3A_27 = tpu.memref_squeeze %dma_start3A_26 : memref<1x64xf32, #tpu.memory_space<vmem>> -> memref<64xf32, #tpu.memory_space<vmem>>
      %dma_start3A_28 = arith.constant 0 : i32
      %dma_start3A_29 = tpu.memref_slice %arg3[%squeeze3A, %squeeze3A_21, %dma_start3A_28] : memref<12500x8x64xf32, #tpu.memory_space<hbm>> -> memref<1x1x64xf32, #tpu.memory_space<hbm>>
      %dma_start3A_30 = tpu.memref_squeeze %dma_start3A_29 : memref<1x1x64xf32, #tpu.memory_space<hbm>> -> memref<64xf32, #tpu.memory_space<hbm>>
      %dma_start3A_31 = arith.constant 0 : i32
      %dma_start3A_32 = tpu.memref_slice %arg6[%add3A_25, %dma_start3A_31] : memref<128x64xf32, #tpu.memory_space<vmem>> -> memref<1x64xf32, #tpu.memory_space<vmem>>
      %dma_start3A_33 = tpu.memref_squeeze %dma_start3A_32 : memref<1x64xf32, #tpu.memory_space<vmem>> -> memref<64xf32, #tpu.memory_space<vmem>>
      %dma_start3A_34 = arith.constant 0 : i32
      %dma_start3A_35 = tpu.memref_slice %arg3[%squeeze3A, %squeeze3A_21, %dma_start3A_34] : memref<12500x8x64xf32, #tpu.memory_space<hbm>> -> memref<1x1x64xf32, #tpu.memory_space<hbm>>
      %dma_start3A_36 = tpu.memref_squeeze %dma_start3A_35 : memref<1x1x64xf32, #tpu.memory_space<hbm>> -> memref<64xf32, #tpu.memory_space<hbm>>
      tpu.enqueue_dma source(%dma_start3A_36 : memref<64xf32, #tpu.memory_space<hbm>>) target(%dma_start3A_33 : memref<64xf32, #tpu.memory_space<vmem>>) target_semaphore(%arg7 : memref<!tpu.dma_semaphore, #tpu.memory_space<semaphore_mem>>)
      %slice3A_37 = vector.extract_strided_slice %shift_right_logical3A_17 {offsets = [1], sizes = [1], strides = [1]} : vector<16xi32> to vector<1xi32>
      %squeeze3A_38 = vector.extract %slice3A_37[0] : i32 from vector<1xi32>
      %slice3A_39 = vector.extract_strided_slice %rem3A_19 {offsets = [1], sizes = [1], strides = [1]} : vector<16xi32> to vector<1xi32>
      %squeeze3A_40 = vector.extract %slice3A_39[0] : i32 from vector<1xi32>
      %mul3A_41 = arith.constant 16 : i32
      %mul3A_42 = arith.muli %scan3A_11, %mul3A_41 : i32
      %add3A_43 = arith.constant 1 : i32
      %add3A_44 = arith.addi %mul3A_42, %add3A_43 : i32
      %dma_start3A_45 = arith.constant 0 : i32
      %dma_start3A_46 = tpu.memref_slice %arg6[%add3A_44, %dma_start3A_45] : memref<128x64xf32, #tpu.memory_space<vmem>> -> memref<1x64xf32, #tpu.memory_space<vmem>>
      %dma_start3A_47 = tpu.memref_squeeze %dma_start3A_46 : memref<1x64xf32, #tpu.memory_space<vmem>> -> memref<64xf32, #tpu.memory_space<vmem>>
      %dma_start3A_48 = arith.constant 0 : i32
      %dma_start3A_49 = tpu.memref_slice %arg3[%squeeze3A_38, %squeeze3A_40, %dma_start3A_48] : memref<12500x8x64xf32, #tpu.memory_space<hbm>> -> memref<1x1x64xf32, #tpu.memory_space<hbm>>
      %dma_start3A_50 = tpu.memref_squeeze %dma_start3A_49 : memref<1x1x64xf32, #tpu.memory_space<hbm>> -> memref<64xf32, #tpu.memory_space<hbm>>
      %dma_start3A_51 = arith.constant 0 : i32
      %dma_start3A_52 = tpu.memref_slice %arg6[%add3A_44, %dma_start3A_51] : memref<128x64xf32, #tpu.memory_space<vmem>> -> memref<1x64xf32, #tpu.memory_space<vmem>>
      %dma_start3A_53 = tpu.memref_squeeze %dma_start3A_52 : memref<1x64xf32, #tpu.memory_space<vmem>> -> memref<64xf32, #tpu.memory_space<vmem>>
      %dma_start3A_54 = arith.constant 0 : i32
      %dma_start3A_55 = tpu.memref_slice %arg3[%squeeze3A_38, %squeeze3A_40, %dma_start3A_54] : memref<12500x8x64xf32, #tpu.memory_space<hbm>> -> memref<1x1x64xf32, #tpu.memory_space<hbm>>
      %dma_start3A_56 = tpu.memref_squeeze %dma_start3A_55 : memref<1x1x64xf32, #tpu.memory_space<hbm>> -> memref<64xf32, #tpu.memory_space<hbm>>
      tpu.enqueue_dma source(%dma_start3A_56 : memref<64xf32, #tpu.memory_space<hbm>>) target(%dma_start3A_53 : memref<64xf32, #tpu.memory_space<vmem>>) target_semaphore(%arg7 : memref<!tpu.dma_semaphore, #tpu.memory_space<semaphore_mem>>)
      %slice3A_57 = vector.extract_strided_slice %shift_right_logical3A_17 {offsets = [2], sizes = [1], strides = [1]} : vector<16xi32> to vector<1xi32>
      %squeeze3A_58 = vector.extract %slice3A_57[0] : i32 from vector<1xi32>
      %slice3A_59 = vector.extract_strided_slice %rem3A_19 {offsets = [2], sizes = [1], strides = [1]} : vector<16xi32> to vector<1xi32>
      %squeeze3A_60 = vector.extract %slice3A_59[0] : i32 from vector<1xi32>
      %mul3A_61 = arith.constant 16 : i32
      %mul3A_62 = arith.muli %scan3A_11, %mul3A_61 : i32
      %add3A_63 = arith.constant 2 : i32
      %add3A_64 = arith.addi %mul3A_62, %add3A_63 : i32
      %dma_start3A_65 = arith.constant 0 : i32
      %dma_start3A_66 = tpu.memref_slice %arg6[%add3A_64, %dma_start3A_65] : memref<128x64xf32, #tpu.memory_space<vmem>> -> memref<1x64xf32, #tpu.memory_space<vmem>>
      %dma_start3A_67 = tpu.memref_squeeze %dma_start3A_66 : memref<1x64xf32, #tpu.memory_space<vmem>> -> memref<64xf32, #tpu.memory_space<vmem>>
      %dma_start3A_68 = arith.constant 0 : i32
      %dma_start3A_69 = tpu.memref_slice %arg3[%squeeze3A_58, %squeeze3A_60, %dma_start3A_68] : memref<12500x8x64xf32, #tpu.memory_space<hbm>> -> memref<1x1x64xf32, #tpu.memory_space<hbm>>
      %dma_start3A_70 = tpu.memref_squeeze %dma_start3A_69 : memref<1x1x64xf32, #tpu.memory_space<hbm>> -> memref<64xf32, #tpu.memory_space<hbm>>
      %dma_start3A_71 = arith.constant 0 : i32
      %dma_start3A_72 = tpu.memref_slice %arg6[%add3A_64, %dma_start3A_71] : memref<128x64xf32, #tpu.memory_space<vmem>> -> memref<1x64xf32, #tpu.memory_space<vmem>>
      %dma_start3A_73 = tpu.memref_squeeze %dma_start3A_72 : memref<1x64xf32, #tpu.memory_space<vmem>> -> memref<64xf32, #tpu.memory_space<vmem>>
      %dma_start3A_74 = arith.constant 0 : i32
      %dma_start3A_75 = tpu.memref_slice %arg3[%squeeze3A_58, %squeeze3A_60, %dma_start3A_74] : memref<12500x8x64xf32, #tpu.memory_space<hbm>> -> memref<1x1x64xf32, #tpu.memory_space<hbm>>
      %dma_start3A_76 = tpu.memref_squeeze %dma_start3A_75 : memref<1x1x64xf32, #tpu.memory_space<hbm>> -> memref<64xf32, #tpu.memory_space<hbm>>
      tpu.enqueue_dma source(%dma_start3A_76 : memref<64xf32, #tpu.memory_space<hbm>>) target(%dma_start3A_73 : memref<64xf32, #tpu.memory_space<vmem>>) target_semaphore(%arg7 : memref<!tpu.dma_semaphore, #tpu.memory_space<semaphore_mem>>)
      %slice3A_77 = vector.extract_strided_slice %shift_right_logical3A_17 {offsets = [3], sizes = [1], strides = [1]} : vector<16xi32> to vector<1xi32>
      %squeeze3A_78 = vector.extract %slice3A_77[0] : i32 from vector<1xi32>
      %slice3A_79 = vector.extract_strided_slice %rem3A_19 {offsets = [3], sizes = [1], strides = [1]} : vector<16xi32> to vector<1xi32>
      %squeeze3A_80 = vector.extract %slice3A_79[0] : i32 from vector<1xi32>
      %mul3A_81 = arith.constant 16 : i32
      %mul3A_82 = arith.muli %scan3A_11, %mul3A_81 : i32
      %add3A_83 = arith.constant 3 : i32
      %add3A_84 = arith.addi %mul3A_82, %add3A_83 : i32
      %dma_start3A_85 = arith.constant 0 : i32
      %dma_start3A_86 = tpu.memref_slice %arg6[%add3A_84, %dma_start3A_85] : memref<128x64xf32, #tpu.memory_space<vmem>> -> memref<1x64xf32, #tpu.memory_space<vmem>>
      %dma_start3A_87 = tpu.memref_squeeze %dma_start3A_86 : memref<1x64xf32, #tpu.memory_space<vmem>> -> memref<64xf32, #tpu.memory_space<vmem>>
      %dma_start3A_88 = arith.constant 0 : i32
      %dma_start3A_89 = tpu.memref_slice %arg3[%squeeze3A_78, %squeeze3A_80, %dma_start3A_88] : memref<12500x8x64xf32, #tpu.memory_space<hbm>> -> memref<1x1x64xf32, #tpu.memory_space<hbm>>
      %dma_start3A_90 = tpu.memref_squeeze %dma_start3A_89 : memref<1x1x64xf32, #tpu.memory_space<hbm>> -> memref<64xf32, #tpu.memory_space<hbm>>
      %dma_start3A_91 = arith.constant 0 : i32
      %dma_start3A_92 = tpu.memref_slice %arg6[%add3A_84, %dma_start3A_91] : memref<128x64xf32, #tpu.memory_space<vmem>> -> memref<1x64xf32, #tpu.memory_space<vmem>>
      %dma_start3A_93 = tpu.memref_squeeze %dma_start3A_92 : memref<1x64xf32, #tpu.memory_space<vmem>> -> memref<64xf32, #tpu.memory_space<vmem>>
      %dma_start3A_94 = arith.constant 0 : i32
      %dma_start3A_95 = tpu.memref_slice %arg3[%squeeze3A_78, %squeeze3A_80, %dma_start3A_94] : memref<12500x8x64xf32, #tpu.memory_space<hbm>> -> memref<1x1x64xf32, #tpu.memory_space<hbm>>
      %dma_start3A_96 = tpu.memref_squeeze %dma_start3A_95 : memref<1x1x64xf32, #tpu.memory_space<hbm>> -> memref<64xf32, #tpu.memory_space<hbm>>
      tpu.enqueue_dma source(%dma_start3A_96 : memref<64xf32, #tpu.memory_space<hbm>>) target(%dma_start3A_93 : memref<64xf32, #tpu.memory_space<vmem>>) target_semaphore(%arg7 : memref<!tpu.dma_semaphore, #tpu.memory_space<semaphore_mem>>)
      %slice3A_97 = vector.extract_strided_slice %shift_right_logical3A_17 {offsets = [4], sizes = [1], strides = [1]} : vector<16xi32> to vector<1xi32>
      %squeeze3A_98 = vector.extract %slice3A_97[0] : i32 from vector<1xi32>
      %slice3A_99 = vector.extract_strided_slice %rem3A_19 {offsets = [4], sizes = [1], strides = [1]} : vector<16xi32> to vector<1xi32>
      %squeeze3A_100 = vector.extract %slice3A_99[0] : i32 from vector<1xi32>
      %mul3A_101 = arith.constant 16 : i32
      %mul3A_102 = arith.muli %scan3A_11, %mul3A_101 : i32
      %add3A_103 = arith.constant 4 : i32
      %add3A_104 = arith.addi %mul3A_102, %add3A_103 : i32
      %dma_start3A_105 = arith.constant 0 : i32
      %dma_start3A_106 = tpu.memref_slice %arg6[%add3A_104, %dma_start3A_105] : memref<128x64xf32, #tpu.memory_space<vmem>> -> memref<1x64xf32, #tpu.memory_space<vmem>>
      %dma_start3A_107 = tpu.memref_squeeze %dma_start3A_106 : memref<1x64xf32, #tpu.memory_space<vmem>> -> memref<64xf32, #tpu.memory_space<vmem>>
      %dma_start3A_108 = arith.constant 0 : i32
      %dma_start3A_109 = tpu.memref_slice %arg3[%squeeze3A_98, %squeeze3A_100, %dma_start3A_108] : memref<12500x8x64xf32, #tpu.memory_space<hbm>> -> memref<1x1x64xf32, #tpu.memory_space<hbm>>
      %dma_start3A_110 = tpu.memref_squeeze %dma_start3A_109 : memref<1x1x64xf32, #tpu.memory_space<hbm>> -> memref<64xf32, #tpu.memory_space<hbm>>
      %dma_start3A_111 = arith.constant 0 : i32
      %dma_start3A_112 = tpu.memref_slice %arg6[%add3A_104, %dma_start3A_111] : memref<128x64xf32, #tpu.memory_space<vmem>> -> memref<1x64xf32, #tpu.memory_space<vmem>>
      %dma_start3A_113 = tpu.memref_squeeze %dma_start3A_112 : memref<1x64xf32, #tpu.memory_space<vmem>> -> memref<64xf32, #tpu.memory_space<vmem>>
      %dma_start3A_114 = arith.constant 0 : i32
      %dma_start3A_115 = tpu.memref_slice %arg3[%squeeze3A_98, %squeeze3A_100, %dma_start3A_114] : memref<12500x8x64xf32, #tpu.memory_space<hbm>> -> memref<1x1x64xf32, #tpu.memory_space<hbm>>
      %dma_start3A_116 = tpu.memref_squeeze %dma_start3A_115 : memref<1x1x64xf32, #tpu.memory_space<hbm>> -> memref<64xf32, #tpu.memory_space<hbm>>
      tpu.enqueue_dma source(%dma_start3A_116 : memref<64xf32, #tpu.memory_space<hbm>>) target(%dma_start3A_113 : memref<64xf32, #tpu.memory_space<vmem>>) target_semaphore(%arg7 : memref<!tpu.dma_semaphore, #tpu.memory_space<semaphore_mem>>)
      %slice3A_117 = vector.extract_strided_slice %shift_right_logical3A_17 {offsets = [5], sizes = [1], strides = [1]} : vector<16xi32> to vector<1xi32>
      %squeeze3A_118 = vector.extract %slice3A_117[0] : i32 from vector<1xi32>
      %slice3A_119 = vector.extract_strided_slice %rem3A_19 {offsets = [5], sizes = [1], strides = [1]} : vector<16xi32> to vector<1xi32>
      %squeeze3A_120 = vector.extract %slice3A_119[0] : i32 from vector<1xi32>
      %mul3A_121 = arith.constant 16 : i32
      %mul3A_122 = arith.muli %scan3A_11, %mul3A_121 : i32
      %add3A_123 = arith.constant 5 : i32
      %add3A_124 = arith.addi %mul3A_122, %add3A_123 : i32
      %dma_start3A_125 = arith.constant 0 : i32
      %dma_start3A_126 = tpu.memref_slice %arg6[%add3A_124, %dma_start3A_125] : memref<128x64xf32, #tpu.memory_space<vmem>> -> memref<1x64xf32, #tpu.memory_space<vmem>>
      %dma_start3A_127 = tpu.memref_squeeze %dma_start3A_126 : memref<1x64xf32, #tpu.memory_space<vmem>> -> memref<64xf32, #tpu.memory_space<vmem>>
      %dma_start3A_128 = arith.constant 0 : i32
      %dma_start3A_129 = tpu.memref_slice %arg3[%squeeze3A_118, %squeeze3A_120, %dma_start3A_128] : memref<12500x8x64xf32, #tpu.memory_space<hbm>> -> memref<1x1x64xf32, #tpu.memory_space<hbm>>
      %dma_start3A_130 = tpu.memref_squeeze %dma_start3A_129 : memref<1x1x64xf32, #tpu.memory_space<hbm>> -> memref<64xf32, #tpu.memory_space<hbm>>
      %dma_start3A_131 = arith.constant 0 : i32
      %dma_start3A_132 = tpu.memref_slice %arg6[%add3A_124, %dma_start3A_131] : memref<128x64xf32, #tpu.memory_space<vmem>> -> memref<1x64xf32, #tpu.memory_space<vmem>>
      %dma_start3A_133 = tpu.memref_squeeze %dma_start3A_132 : memref<1x64xf32, #tpu.memory_space<vmem>> -> memref<64xf32, #tpu.memory_space<vmem>>
      %dma_start3A_134 = arith.constant 0 : i32
      %dma_start3A_135 = tpu.memref_slice %arg3[%squeeze3A_118, %squeeze3A_120, %dma_start3A_134] : memref<12500x8x64xf32, #tpu.memory_space<hbm>> -> memref<1x1x64xf32, #tpu.memory_space<hbm>>
      %dma_start3A_136 = tpu.memref_squeeze %dma_start3A_135 : memref<1x1x64xf32, #tpu.memory_space<hbm>> -> memref<64xf32, #tpu.memory_space<hbm>>
      tpu.enqueue_dma source(%dma_start3A_136 : memref<64xf32, #tpu.memory_space<hbm>>) target(%dma_start3A_133 : memref<64xf32, #tpu.memory_space<vmem>>) target_semaphore(%arg7 : memref<!tpu.dma_semaphore, #tpu.memory_space<semaphore_mem>>)
      %slice3A_137 = vector.extract_strided_slice %shift_right_logical3A_17 {offsets = [6], sizes = [1], strides = [1]} : vector<16xi32> to vector<1xi32>
      %squeeze3A_138 = vector.extract %slice3A_137[0] : i32 from vector<1xi32>
      %slice3A_139 = vector.extract_strided_slice %rem3A_19 {offsets = [6], sizes = [1], strides = [1]} : vector<16xi32> to vector<1xi32>
      %squeeze3A_140 = vector.extract %slice3A_139[0] : i32 from vector<1xi32>
      %mul3A_141 = arith.constant 16 : i32
      %mul3A_142 = arith.muli %scan3A_11, %mul3A_141 : i32
      %add3A_143 = arith.constant 6 : i32
      %add3A_144 = arith.addi %mul3A_142, %add3A_143 : i32
      %dma_start3A_145 = arith.constant 0 : i32
      %dma_start3A_146 = tpu.memref_slice %arg6[%add3A_144, %dma_start3A_145] : memref<128x64xf32, #tpu.memory_space<vmem>> -> memref<1x64xf32, #tpu.memory_space<vmem>>
      %dma_start3A_147 = tpu.memref_squeeze %dma_start3A_146 : memref<1x64xf32, #tpu.memory_space<vmem>> -> memref<64xf32, #tpu.memory_space<vmem>>
      %dma_start3A_148 = arith.constant 0 : i32
      %dma_start3A_149 = tpu.memref_slice %arg3[%squeeze3A_138, %squeeze3A_140, %dma_start3A_148] : memref<12500x8x64xf32, #tpu.memory_space<hbm>> -> memref<1x1x64xf32, #tpu.memory_space<hbm>>
      %dma_start3A_150 = tpu.memref_squeeze %dma_start3A_149 : memref<1x1x64xf32, #tpu.memory_space<hbm>> -> memref<64xf32, #tpu.memory_space<hbm>>
      %dma_start3A_151 = arith.constant 0 : i32
      %dma_start3A_152 = tpu.memref_slice %arg6[%add3A_144, %dma_start3A_151] : memref<128x64xf32, #tpu.memory_space<vmem>> -> memref<1x64xf32, #tpu.memory_space<vmem>>
      %dma_start3A_153 = tpu.memref_squeeze %dma_start3A_152 : memref<1x64xf32, #tpu.memory_space<vmem>> -> memref<64xf32, #tpu.memory_space<vmem>>
      %dma_start3A_154 = arith.constant 0 : i32
      %dma_start3A_155 = tpu.memref_slice %arg3[%squeeze3A_138, %squeeze3A_140, %dma_start3A_154] : memref<12500x8x64xf32, #tpu.memory_space<hbm>> -> memref<1x1x64xf32, #tpu.memory_space<hbm>>
      %dma_start3A_156 = tpu.memref_squeeze %dma_start3A_155 : memref<1x1x64xf32, #tpu.memory_space<hbm>> -> memref<64xf32, #tpu.memory_space<hbm>>
      tpu.enqueue_dma source(%dma_start3A_156 : memref<64xf32, #tpu.memory_space<hbm>>) target(%dma_start3A_153 : memref<64xf32, #tpu.memory_space<vmem>>) target_semaphore(%arg7 : memref<!tpu.dma_semaphore, #tpu.memory_space<semaphore_mem>>)
      %slice3A_157 = vector.extract_strided_slice %shift_right_logical3A_17 {offsets = [7], sizes = [1], strides = [1]} : vector<16xi32> to vector<1xi32>
      %squeeze3A_158 = vector.extract %slice3A_157[0] : i32 from vector<1xi32>
      %slice3A_159 = vector.extract_strided_slice %rem3A_19 {offsets = [7], sizes = [1], strides = [1]} : vector<16xi32> to vector<1xi32>
      %squeeze3A_160 = vector.extract %slice3A_159[0] : i32 from vector<1xi32>
      %mul3A_161 = arith.constant 16 : i32
      %mul3A_162 = arith.muli %scan3A_11, %mul3A_161 : i32
      %add3A_163 = arith.constant 7 : i32
      %add3A_164 = arith.addi %mul3A_162, %add3A_163 : i32
      %dma_start3A_165 = arith.constant 0 : i32
      %dma_start3A_166 = tpu.memref_slice %arg6[%add3A_164, %dma_start3A_165] : memref<128x64xf32, #tpu.memory_space<vmem>> -> memref<1x64xf32, #tpu.memory_space<vmem>>
      %dma_start3A_167 = tpu.memref_squeeze %dma_start3A_166 : memref<1x64xf32, #tpu.memory_space<vmem>> -> memref<64xf32, #tpu.memory_space<vmem>>
      %dma_start3A_168 = arith.constant 0 : i32
      %dma_start3A_169 = tpu.memref_slice %arg3[%squeeze3A_158, %squeeze3A_160, %dma_start3A_168] : memref<12500x8x64xf32, #tpu.memory_space<hbm>> -> memref<1x1x64xf32, #tpu.memory_space<hbm>>
      %dma_start3A_170 = tpu.memref_squeeze %dma_start3A_169 : memref<1x1x64xf32, #tpu.memory_space<hbm>> -> memref<64xf32, #tpu.memory_space<hbm>>
      %dma_start3A_171 = arith.constant 0 : i32
      %dma_start3A_172 = tpu.memref_slice %arg6[%add3A_164, %dma_start3A_171] : memref<128x64xf32, #tpu.memory_space<vmem>> -> memref<1x64xf32, #tpu.memory_space<vmem>>
      %dma_start3A_173 = tpu.memref_squeeze %dma_start3A_172 : memref<1x64xf32, #tpu.memory_space<vmem>> -> memref<64xf32, #tpu.memory_space<vmem>>
      %dma_start3A_174 = arith.constant 0 : i32
      %dma_start3A_175 = tpu.memref_slice %arg3[%squeeze3A_158, %squeeze3A_160, %dma_start3A_174] : memref<12500x8x64xf32, #tpu.memory_space<hbm>> -> memref<1x1x64xf32, #tpu.memory_space<hbm>>
      %dma_start3A_176 = tpu.memref_squeeze %dma_start3A_175 : memref<1x1x64xf32, #tpu.memory_space<hbm>> -> memref<64xf32, #tpu.memory_space<hbm>>
      tpu.enqueue_dma source(%dma_start3A_176 : memref<64xf32, #tpu.memory_space<hbm>>) target(%dma_start3A_173 : memref<64xf32, #tpu.memory_space<vmem>>) target_semaphore(%arg7 : memref<!tpu.dma_semaphore, #tpu.memory_space<semaphore_mem>>)
      %slice3A_177 = vector.extract_strided_slice %shift_right_logical3A_17 {offsets = [8], sizes = [1], strides = [1]} : vector<16xi32> to vector<1xi32>
      %squeeze3A_178 = vector.extract %slice3A_177[0] : i32 from vector<1xi32>
      %slice3A_179 = vector.extract_strided_slice %rem3A_19 {offsets = [8], sizes = [1], strides = [1]} : vector<16xi32> to vector<1xi32>
      %squeeze3A_180 = vector.extract %slice3A_179[0] : i32 from vector<1xi32>
      %mul3A_181 = arith.constant 16 : i32
      %mul3A_182 = arith.muli %scan3A_11, %mul3A_181 : i32
      %add3A_183 = arith.constant 8 : i32
      %add3A_184 = arith.addi %mul3A_182, %add3A_183 : i32
      %dma_start3A_185 = arith.constant 0 : i32
      %dma_start3A_186 = tpu.memref_slice %arg6[%add3A_184, %dma_start3A_185] : memref<128x64xf32, #tpu.memory_space<vmem>> -> memref<1x64xf32, #tpu.memory_space<vmem>>
      %dma_start3A_187 = tpu.memref_squeeze %dma_start3A_186 : memref<1x64xf32, #tpu.memory_space<vmem>> -> memref<64xf32, #tpu.memory_space<vmem>>
      %dma_start3A_188 = arith.constant 0 : i32
      %dma_start3A_189 = tpu.memref_slice %arg3[%squeeze3A_178, %squeeze3A_180, %dma_start3A_188] : memref<12500x8x64xf32, #tpu.memory_space<hbm>> -> memref<1x1x64xf32, #tpu.memory_space<hbm>>
      %dma_start3A_190 = tpu.memref_squeeze %dma_start3A_189 : memref<1x1x64xf32, #tpu.memory_space<hbm>> -> memref<64xf32, #tpu.memory_space<hbm>>
      %dma_start3A_191 = arith.constant 0 : i32
      %dma_start3A_192 = tpu.memref_slice %arg6[%add3A_184, %dma_start3A_191] : memref<128x64xf32, #tpu.memory_space<vmem>> -> memref<1x64xf32, #tpu.memory_space<vmem>>
      %dma_start3A_193 = tpu.memref_squeeze %dma_start3A_192 : memref<1x64xf32, #tpu.memory_space<vmem>> -> memref<64xf32, #tpu.memory_space<vmem>>
      %dma_start3A_194 = arith.constant 0 : i32
      %dma_start3A_195 = tpu.memref_slice %arg3[%squeeze3A_178, %squeeze3A_180, %dma_start3A_194] : memref<12500x8x64xf32, #tpu.memory_space<hbm>> -> memref<1x1x64xf32, #tpu.memory_space<hbm>>
      %dma_start3A_196 = tpu.memref_squeeze %dma_start3A_195 : memref<1x1x64xf32, #tpu.memory_space<hbm>> -> memref<64xf32, #tpu.memory_space<hbm>>
      tpu.enqueue_dma source(%dma_start3A_196 : memref<64xf32, #tpu.memory_space<hbm>>) target(%dma_start3A_193 : memref<64xf32, #tpu.memory_space<vmem>>) target_semaphore(%arg7 : memref<!tpu.dma_semaphore, #tpu.memory_space<semaphore_mem>>)
      %slice3A_197 = vector.extract_strided_slice %shift_right_logical3A_17 {offsets = [9], sizes = [1], strides = [1]} : vector<16xi32> to vector<1xi32>
      %squeeze3A_198 = vector.extract %slice3A_197[0] : i32 from vector<1xi32>
      %slice3A_199 = vector.extract_strided_slice %rem3A_19 {offsets = [9], sizes = [1], strides = [1]} : vector<16xi32> to vector<1xi32>
      %squeeze3A_200 = vector.extract %slice3A_199[0] : i32 from vector<1xi32>
      %mul3A_201 = arith.constant 16 : i32
      %mul3A_202 = arith.muli %scan3A_11, %mul3A_201 : i32
      %add3A_203 = arith.constant 9 : i32
      %add3A_204 = arith.addi %mul3A_202, %add3A_203 : i32
      %dma_start3A_205 = arith.constant 0 : i32
      %dma_start3A_206 = tpu.memref_slice %arg6[%add3A_204, %dma_start3A_205] : memref<128x64xf32, #tpu.memory_space<vmem>> -> memref<1x64xf32, #tpu.memory_space<vmem>>
      %dma_start3A_207 = tpu.memref_squeeze %dma_start3A_206 : memref<1x64xf32, #tpu.memory_space<vmem>> -> memref<64xf32, #tpu.memory_space<vmem>>
      %dma_start3A_208 = arith.constant 0 : i32
      %dma_start3A_209 = tpu.memref_slice %arg3[%squeeze3A_198, %squeeze3A_200, %dma_start3A_208] : memref<12500x8x64xf32, #tpu.memory_space<hbm>> -> memref<1x1x64xf32, #tpu.memory_space<hbm>>
      %dma_start3A_210 = tpu.memref_squeeze %dma_start3A_209 : memref<1x1x64xf32, #tpu.memory_space<hbm>> -> memref<64xf32, #tpu.memory_space<hbm>>
      %dma_start3A_211 = arith.constant 0 : i32
      %dma_start3A_212 = tpu.memref_slice %arg6[%add3A_204, %dma_start3A_211] : memref<128x64xf32, #tpu.memory_space<vmem>> -> memref<1x64xf32, #tpu.memory_space<vmem>>
      %dma_start3A_213 = tpu.memref_squeeze %dma_start3A_212 : memref<1x64xf32, #tpu.memory_space<vmem>> -> memref<64xf32, #tpu.memory_space<vmem>>
      %dma_start3A_214 = arith.constant 0 : i32
      %dma_start3A_215 = tpu.memref_slice %arg3[%squeeze3A_198, %squeeze3A_200, %dma_start3A_214] : memref<12500x8x64xf32, #tpu.memory_space<hbm>> -> memref<1x1x64xf32, #tpu.memory_space<hbm>>
      %dma_start3A_216 = tpu.memref_squeeze %dma_start3A_215 : memref<1x1x64xf32, #tpu.memory_space<hbm>> -> memref<64xf32, #tpu.memory_space<hbm>>
      tpu.enqueue_dma source(%dma_start3A_216 : memref<64xf32, #tpu.memory_space<hbm>>) target(%dma_start3A_213 : memref<64xf32, #tpu.memory_space<vmem>>) target_semaphore(%arg7 : memref<!tpu.dma_semaphore, #tpu.memory_space<semaphore_mem>>)
      %slice3A_217 = vector.extract_strided_slice %shift_right_logical3A_17 {offsets = [10], sizes = [1], strides = [1]} : vector<16xi32> to vector<1xi32>
      %squeeze3A_218 = vector.extract %slice3A_217[0] : i32 from vector<1xi32>
      %slice3A_219 = vector.extract_strided_slice %rem3A_19 {offsets = [10], sizes = [1], strides = [1]} : vector<16xi32> to vector<1xi32>
      %squeeze3A_220 = vector.extract %slice3A_219[0] : i32 from vector<1xi32>
      %mul3A_221 = arith.constant 16 : i32
      %mul3A_222 = arith.muli %scan3A_11, %mul3A_221 : i32
      %add3A_223 = arith.constant 10 : i32
      %add3A_224 = arith.addi %mul3A_222, %add3A_223 : i32
      %dma_start3A_225 = arith.constant 0 : i32
      %dma_start3A_226 = tpu.memref_slice %arg6[%add3A_224, %dma_start3A_225] : memref<128x64xf32, #tpu.memory_space<vmem>> -> memref<1x64xf32, #tpu.memory_space<vmem>>
      %dma_start3A_227 = tpu.memref_squeeze %dma_start3A_226 : memref<1x64xf32, #tpu.memory_space<vmem>> -> memref<64xf32, #tpu.memory_space<vmem>>
      %dma_start3A_228 = arith.constant 0 : i32
      %dma_start3A_229 = tpu.memref_slice %arg3[%squeeze3A_218, %squeeze3A_220, %dma_start3A_228] : memref<12500x8x64xf32, #tpu.memory_space<hbm>> -> memref<1x1x64xf32, #tpu.memory_space<hbm>>
      %dma_start3A_230 = tpu.memref_squeeze %dma_start3A_229 : memref<1x1x64xf32, #tpu.memory_space<hbm>> -> memref<64xf32, #tpu.memory_space<hbm>>
      %dma_start3A_231 = arith.constant 0 : i32
      %dma_start3A_232 = tpu.memref_slice %arg6[%add3A_224, %dma_start3A_231] : memref<128x64xf32, #tpu.memory_space<vmem>> -> memref<1x64xf32, #tpu.memory_space<vmem>>
      %dma_start3A_233 = tpu.memref_squeeze %dma_start3A_232 : memref<1x64xf32, #tpu.memory_space<vmem>> -> memref<64xf32, #tpu.memory_space<vmem>>
      %dma_start3A_234 = arith.constant 0 : i32
      %dma_start3A_235 = tpu.memref_slice %arg3[%squeeze3A_218, %squeeze3A_220, %dma_start3A_234] : memref<12500x8x64xf32, #tpu.memory_space<hbm>> -> memref<1x1x64xf32, #tpu.memory_space<hbm>>
      %dma_start3A_236 = tpu.memref_squeeze %dma_start3A_235 : memref<1x1x64xf32, #tpu.memory_space<hbm>> -> memref<64xf32, #tpu.memory_space<hbm>>
      tpu.enqueue_dma source(%dma_start3A_236 : memref<64xf32, #tpu.memory_space<hbm>>) target(%dma_start3A_233 : memref<64xf32, #tpu.memory_space<vmem>>) target_semaphore(%arg7 : memref<!tpu.dma_semaphore, #tpu.memory_space<semaphore_mem>>)
      %slice3A_237 = vector.extract_strided_slice %shift_right_logical3A_17 {offsets = [11], sizes = [1], strides = [1]} : vector<16xi32> to vector<1xi32>
      %squeeze3A_238 = vector.extract %slice3A_237[0] : i32 from vector<1xi32>
      %slice3A_239 = vector.extract_strided_slice %rem3A_19 {offsets = [11], sizes = [1], strides = [1]} : vector<16xi32> to vector<1xi32>
      %squeeze3A_240 = vector.extract %slice3A_239[0] : i32 from vector<1xi32>
      %mul3A_241 = arith.constant 16 : i32
      %mul3A_242 = arith.muli %scan3A_11, %mul3A_241 : i32
      %add3A_243 = arith.constant 11 : i32
      %add3A_244 = arith.addi %mul3A_242, %add3A_243 : i32
      %dma_start3A_245 = arith.constant 0 : i32
      %dma_start3A_246 = tpu.memref_slice %arg6[%add3A_244, %dma_start3A_245] : memref<128x64xf32, #tpu.memory_space<vmem>> -> memref<1x64xf32, #tpu.memory_space<vmem>>
      %dma_start3A_247 = tpu.memref_squeeze %dma_start3A_246 : memref<1x64xf32, #tpu.memory_space<vmem>> -> memref<64xf32, #tpu.memory_space<vmem>>
      %dma_start3A_248 = arith.constant 0 : i32
      %dma_start3A_249 = tpu.memref_slice %arg3[%squeeze3A_238, %squeeze3A_240, %dma_start3A_248] : memref<12500x8x64xf32, #tpu.memory_space<hbm>> -> memref<1x1x64xf32, #tpu.memory_space<hbm>>
      %dma_start3A_250 = tpu.memref_squeeze %dma_start3A_249 : memref<1x1x64xf32, #tpu.memory_space<hbm>> -> memref<64xf32, #tpu.memory_space<hbm>>
      %dma_start3A_251 = arith.constant 0 : i32
      %dma_start3A_252 = tpu.memref_slice %arg6[%add3A_244, %dma_start3A_251] : memref<128x64xf32, #tpu.memory_space<vmem>> -> memref<1x64xf32, #tpu.memory_space<vmem>>
      %dma_start3A_253 = tpu.memref_squeeze %dma_start3A_252 : memref<1x64xf32, #tpu.memory_space<vmem>> -> memref<64xf32, #tpu.memory_space<vmem>>
      %dma_start3A_254 = arith.constant 0 : i32
      %dma_start3A_255 = tpu.memref_slice %arg3[%squeeze3A_238, %squeeze3A_240, %dma_start3A_254] : memref<12500x8x64xf32, #tpu.memory_space<hbm>> -> memref<1x1x64xf32, #tpu.memory_space<hbm>>
      %dma_start3A_256 = tpu.memref_squeeze %dma_start3A_255 : memref<1x1x64xf32, #tpu.memory_space<hbm>> -> memref<64xf32, #tpu.memory_space<hbm>>
      tpu.enqueue_dma source(%dma_start3A_256 : memref<64xf32, #tpu.memory_space<hbm>>) target(%dma_start3A_253 : memref<64xf32, #tpu.memory_space<vmem>>) target_semaphore(%arg7 : memref<!tpu.dma_semaphore, #tpu.memory_space<semaphore_mem>>)
      %slice3A_257 = vector.extract_strided_slice %shift_right_logical3A_17 {offsets = [12], sizes = [1], strides = [1]} : vector<16xi32> to vector<1xi32>
      %squeeze3A_258 = vector.extract %slice3A_257[0] : i32 from vector<1xi32>
      %slice3A_259 = vector.extract_strided_slice %rem3A_19 {offsets = [12], sizes = [1], strides = [1]} : vector<16xi32> to vector<1xi32>
      %squeeze3A_260 = vector.extract %slice3A_259[0] : i32 from vector<1xi32>
      %mul3A_261 = arith.constant 16 : i32
      %mul3A_262 = arith.muli %scan3A_11, %mul3A_261 : i32
      %add3A_263 = arith.constant 12 : i32
      %add3A_264 = arith.addi %mul3A_262, %add3A_263 : i32
      %dma_start3A_265 = arith.constant 0 : i32
      %dma_start3A_266 = tpu.memref_slice %arg6[%add3A_264, %dma_start3A_265] : memref<128x64xf32, #tpu.memory_space<vmem>> -> memref<1x64xf32, #tpu.memory_space<vmem>>
      %dma_start3A_267 = tpu.memref_squeeze %dma_start3A_266 : memref<1x64xf32, #tpu.memory_space<vmem>> -> memref<64xf32, #tpu.memory_space<vmem>>
      %dma_start3A_268 = arith.constant 0 : i32
      %dma_start3A_269 = tpu.memref_slice %arg3[%squeeze3A_258, %squeeze3A_260, %dma_start3A_268] : memref<12500x8x64xf32, #tpu.memory_space<hbm>> -> memref<1x1x64xf32, #tpu.memory_space<hbm>>
      %dma_start3A_270 = tpu.memref_squeeze %dma_start3A_269 : memref<1x1x64xf32, #tpu.memory_space<hbm>> -> memref<64xf32, #tpu.memory_space<hbm>>
      %dma_start3A_271 = arith.constant 0 : i32
      %dma_start3A_272 = tpu.memref_slice %arg6[%add3A_264, %dma_start3A_271] : memref<128x64xf32, #tpu.memory_space<vmem>> -> memref<1x64xf32, #tpu.memory_space<vmem>>
      %dma_start3A_273 = tpu.memref_squeeze %dma_start3A_272 : memref<1x64xf32, #tpu.memory_space<vmem>> -> memref<64xf32, #tpu.memory_space<vmem>>
      %dma_start3A_274 = arith.constant 0 : i32
      %dma_start3A_275 = tpu.memref_slice %arg3[%squeeze3A_258, %squeeze3A_260, %dma_start3A_274] : memref<12500x8x64xf32, #tpu.memory_space<hbm>> -> memref<1x1x64xf32, #tpu.memory_space<hbm>>
      %dma_start3A_276 = tpu.memref_squeeze %dma_start3A_275 : memref<1x1x64xf32, #tpu.memory_space<hbm>> -> memref<64xf32, #tpu.memory_space<hbm>>
      tpu.enqueue_dma source(%dma_start3A_276 : memref<64xf32, #tpu.memory_space<hbm>>) target(%dma_start3A_273 : memref<64xf32, #tpu.memory_space<vmem>>) target_semaphore(%arg7 : memref<!tpu.dma_semaphore, #tpu.memory_space<semaphore_mem>>)
      %slice3A_277 = vector.extract_strided_slice %shift_right_logical3A_17 {offsets = [13], sizes = [1], strides = [1]} : vector<16xi32> to vector<1xi32>
      %squeeze3A_278 = vector.extract %slice3A_277[0] : i32 from vector<1xi32>
      %slice3A_279 = vector.extract_strided_slice %rem3A_19 {offsets = [13], sizes = [1], strides = [1]} : vector<16xi32> to vector<1xi32>
      %squeeze3A_280 = vector.extract %slice3A_279[0] : i32 from vector<1xi32>
      %mul3A_281 = arith.constant 16 : i32
      %mul3A_282 = arith.muli %scan3A_11, %mul3A_281 : i32
      %add3A_283 = arith.constant 13 : i32
      %add3A_284 = arith.addi %mul3A_282, %add3A_283 : i32
      %dma_start3A_285 = arith.constant 0 : i32
      %dma_start3A_286 = tpu.memref_slice %arg6[%add3A_284, %dma_start3A_285] : memref<128x64xf32, #tpu.memory_space<vmem>> -> memref<1x64xf32, #tpu.memory_space<vmem>>
      %dma_start3A_287 = tpu.memref_squeeze %dma_start3A_286 : memref<1x64xf32, #tpu.memory_space<vmem>> -> memref<64xf32, #tpu.memory_space<vmem>>
      %dma_start3A_288 = arith.constant 0 : i32
      %dma_start3A_289 = tpu.memref_slice %arg3[%squeeze3A_278, %squeeze3A_280, %dma_start3A_288] : memref<12500x8x64xf32, #tpu.memory_space<hbm>> -> memref<1x1x64xf32, #tpu.memory_space<hbm>>
      %dma_start3A_290 = tpu.memref_squeeze %dma_start3A_289 : memref<1x1x64xf32, #tpu.memory_space<hbm>> -> memref<64xf32, #tpu.memory_space<hbm>>
      %dma_start3A_291 = arith.constant 0 : i32
      %dma_start3A_292 = tpu.memref_slice %arg6[%add3A_284, %dma_start3A_291] : memref<128x64xf32, #tpu.memory_space<vmem>> -> memref<1x64xf32, #tpu.memory_space<vmem>>
      %dma_start3A_293 = tpu.memref_squeeze %dma_start3A_292 : memref<1x64xf32, #tpu.memory_space<vmem>> -> memref<64xf32, #tpu.memory_space<vmem>>
      %dma_start3A_294 = arith.constant 0 : i32
      %dma_start3A_295 = tpu.memref_slice %arg3[%squeeze3A_278, %squeeze3A_280, %dma_start3A_294] : memref<12500x8x64xf32, #tpu.memory_space<hbm>> -> memref<1x1x64xf32, #tpu.memory_space<hbm>>
      %dma_start3A_296 = tpu.memref_squeeze %dma_start3A_295 : memref<1x1x64xf32, #tpu.memory_space<hbm>> -> memref<64xf32, #tpu.memory_space<hbm>>
      tpu.enqueue_dma source(%dma_start3A_296 : memref<64xf32, #tpu.memory_space<hbm>>) target(%dma_start3A_293 : memref<64xf32, #tpu.memory_space<vmem>>) target_semaphore(%arg7 : memref<!tpu.dma_semaphore, #tpu.memory_space<semaphore_mem>>)
      %slice3A_297 = vector.extract_strided_slice %shift_right_logical3A_17 {offsets = [14], sizes = [1], strides = [1]} : vector<16xi32> to vector<1xi32>
      %squeeze3A_298 = vector.extract %slice3A_297[0] : i32 from vector<1xi32>
      %slice3A_299 = vector.extract_strided_slice %rem3A_19 {offsets = [14], sizes = [1], strides = [1]} : vector<16xi32> to vector<1xi32>
      %squeeze3A_300 = vector.extract %slice3A_299[0] : i32 from vector<1xi32>
      %mul3A_301 = arith.constant 16 : i32
      %mul3A_302 = arith.muli %scan3A_11, %mul3A_301 : i32
      %add3A_303 = arith.constant 14 : i32
      %add3A_304 = arith.addi %mul3A_302, %add3A_303 : i32
      %dma_start3A_305 = arith.constant 0 : i32
      %dma_start3A_306 = tpu.memref_slice %arg6[%add3A_304, %dma_start3A_305] : memref<128x64xf32, #tpu.memory_space<vmem>> -> memref<1x64xf32, #tpu.memory_space<vmem>>
      %dma_start3A_307 = tpu.memref_squeeze %dma_start3A_306 : memref<1x64xf32, #tpu.memory_space<vmem>> -> memref<64xf32, #tpu.memory_space<vmem>>
      %dma_start3A_308 = arith.constant 0 : i32
      %dma_start3A_309 = tpu.memref_slice %arg3[%squeeze3A_298, %squeeze3A_300, %dma_start3A_308] : memref<12500x8x64xf32, #tpu.memory_space<hbm>> -> memref<1x1x64xf32, #tpu.memory_space<hbm>>
      %dma_start3A_310 = tpu.memref_squeeze %dma_start3A_309 : memref<1x1x64xf32, #tpu.memory_space<hbm>> -> memref<64xf32, #tpu.memory_space<hbm>>
      %dma_start3A_311 = arith.constant 0 : i32
      %dma_start3A_312 = tpu.memref_slice %arg6[%add3A_304, %dma_start3A_311] : memref<128x64xf32, #tpu.memory_space<vmem>> -> memref<1x64xf32, #tpu.memory_space<vmem>>
      %dma_start3A_313 = tpu.memref_squeeze %dma_start3A_312 : memref<1x64xf32, #tpu.memory_space<vmem>> -> memref<64xf32, #tpu.memory_space<vmem>>
      %dma_start3A_314 = arith.constant 0 : i32
      %dma_start3A_315 = tpu.memref_slice %arg3[%squeeze3A_298, %squeeze3A_300, %dma_start3A_314] : memref<12500x8x64xf32, #tpu.memory_space<hbm>> -> memref<1x1x64xf32, #tpu.memory_space<hbm>>
      %dma_start3A_316 = tpu.memref_squeeze %dma_start3A_315 : memref<1x1x64xf32, #tpu.memory_space<hbm>> -> memref<64xf32, #tpu.memory_space<hbm>>
      tpu.enqueue_dma source(%dma_start3A_316 : memref<64xf32, #tpu.memory_space<hbm>>) target(%dma_start3A_313 : memref<64xf32, #tpu.memory_space<vmem>>) target_semaphore(%arg7 : memref<!tpu.dma_semaphore, #tpu.memory_space<semaphore_mem>>)
      %slice3A_317 = vector.extract_strided_slice %shift_right_logical3A_17 {offsets = [15], sizes = [1], strides = [1]} : vector<16xi32> to vector<1xi32>
      %squeeze3A_318 = vector.extract %slice3A_317[0] : i32 from vector<1xi32>
      %slice3A_319 = vector.extract_strided_slice %rem3A_19 {offsets = [15], sizes = [1], strides = [1]} : vector<16xi32> to vector<1xi32>
      %squeeze3A_320 = vector.extract %slice3A_319[0] : i32 from vector<1xi32>
      %mul3A_321 = arith.constant 16 : i32
      %mul3A_322 = arith.muli %scan3A_11, %mul3A_321 : i32
      %add3A_323 = arith.constant 15 : i32
      %add3A_324 = arith.addi %mul3A_322, %add3A_323 : i32
      %dma_start3A_325 = arith.constant 0 : i32
      %dma_start3A_326 = tpu.memref_slice %arg6[%add3A_324, %dma_start3A_325] : memref<128x64xf32, #tpu.memory_space<vmem>> -> memref<1x64xf32, #tpu.memory_space<vmem>>
      %dma_start3A_327 = tpu.memref_squeeze %dma_start3A_326 : memref<1x64xf32, #tpu.memory_space<vmem>> -> memref<64xf32, #tpu.memory_space<vmem>>
      %dma_start3A_328 = arith.constant 0 : i32
      %dma_start3A_329 = tpu.memref_slice %arg3[%squeeze3A_318, %squeeze3A_320, %dma_start3A_328] : memref<12500x8x64xf32, #tpu.memory_space<hbm>> -> memref<1x1x64xf32, #tpu.memory_space<hbm>>
      %dma_start3A_330 = tpu.memref_squeeze %dma_start3A_329 : memref<1x1x64xf32, #tpu.memory_space<hbm>> -> memref<64xf32, #tpu.memory_space<hbm>>
      %dma_start3A_331 = arith.constant 0 : i32
      %dma_start3A_332 = tpu.memref_slice %arg6[%add3A_324, %dma_start3A_331] : memref<128x64xf32, #tpu.memory_space<vmem>> -> memref<1x64xf32, #tpu.memory_space<vmem>>
      %dma_start3A_333 = tpu.memref_squeeze %dma_start3A_332 : memref<1x64xf32, #tpu.memory_space<vmem>> -> memref<64xf32, #tpu.memory_space<vmem>>
      %dma_start3A_334 = arith.constant 0 : i32
      %dma_start3A_335 = tpu.memref_slice %arg3[%squeeze3A_318, %squeeze3A_320, %dma_start3A_334] : memref<12500x8x64xf32, #tpu.memory_space<hbm>> -> memref<1x1x64xf32, #tpu.memory_space<hbm>>
      %dma_start3A_336 = tpu.memref_squeeze %dma_start3A_335 : memref<1x1x64xf32, #tpu.memory_space<hbm>> -> memref<64xf32, #tpu.memory_space<hbm>>
      tpu.enqueue_dma source(%dma_start3A_336 : memref<64xf32, #tpu.memory_space<hbm>>) target(%dma_start3A_333 : memref<64xf32, #tpu.memory_space<vmem>>) target_semaphore(%arg7 : memref<!tpu.dma_semaphore, #tpu.memory_space<semaphore_mem>>)
    }
    %scan3A_7 = arith.constant 8 : i32
    %dma_wait3A = arith.constant 0 : i32
    %dma_wait3A_8 = tpu.memref_slice %arg4[%mul3A_2, %dma_wait3A] : memref<4096x64xf32, #tpu.memory_space<hbm>> -> memref<128x64xf32, #tpu.memory_space<hbm>>
    %dma_wait3A_9 = arith.constant 0 : i32
    %dma_wait3A_10 = tpu.memref_slice %arg4[%mul3A_2, %dma_wait3A_9] : memref<4096x64xf32, #tpu.memory_space<hbm>> -> memref<128x64xf32, #tpu.memory_space<hbm>>
    tpu.wait_dma2 semaphore(%arg7 : memref<!tpu.dma_semaphore, #tpu.memory_space<semaphore_mem>>) src(%dma_wait3A_10 : memref<128x64xf32, #tpu.memory_space<hbm>>) dst(%arg6 : memref<128x64xf32, #tpu.memory_space<vmem>>)
    "tpu.region"() ({
      %run_scoped3A = tpu.sem_alloc : memref<!tpu.dma_semaphore, #tpu.memory_space<semaphore_mem>>
      %dma_start3A = arith.constant 0 : i32
      %dma_start3A_11 = tpu.memref_slice %arg4[%mul3A_2, %dma_start3A] : memref<4096x64xf32, #tpu.memory_space<hbm>> -> memref<128x64xf32, #tpu.memory_space<hbm>>
      %dma_start3A_12 = arith.constant 0 : i32
      %dma_start3A_13 = tpu.memref_slice %arg4[%mul3A_2, %dma_start3A_12] : memref<4096x64xf32, #tpu.memory_space<hbm>> -> memref<128x64xf32, #tpu.memory_space<hbm>>
      tpu.enqueue_dma source(%arg6 : memref<128x64xf32, #tpu.memory_space<vmem>>) target(%dma_start3A_13 : memref<128x64xf32, #tpu.memory_space<hbm>>) target_semaphore(%run_scoped3A : memref<!tpu.dma_semaphore, #tpu.memory_space<semaphore_mem>>)
      %dma_wait3A_14 = arith.constant 0 : i32
      %dma_wait3A_15 = tpu.memref_slice %arg4[%mul3A_2, %dma_wait3A_14] : memref<4096x64xf32, #tpu.memory_space<hbm>> -> memref<128x64xf32, #tpu.memory_space<hbm>>
      %dma_wait3A_16 = arith.constant 0 : i32
      %dma_wait3A_17 = tpu.memref_slice %arg4[%mul3A_2, %dma_wait3A_16] : memref<4096x64xf32, #tpu.memory_space<hbm>> -> memref<128x64xf32, #tpu.memory_space<hbm>>
      tpu.wait_dma2 semaphore(%run_scoped3A : memref<!tpu.dma_semaphore, #tpu.memory_space<semaphore_mem>>) src(%arg6 : memref<128x64xf32, #tpu.memory_space<vmem>>) dst(%dma_wait3A_17 : memref<128x64xf32, #tpu.memory_space<hbm>>)
      tpu.yield
    }) : () -> ()
    return
  }
}

</mosaic_0001>

<sc_bundles>
// kernel: kernel.3.cloned.1.call-start
scs
__scs_entry_jumppad:
0x0: {  	(pc) =	sbr.rel $0x88, $3  }
0x1: {  	(tag) =	ssettag $0x0;
	lr =	simm.s32 $0x1  }
0x2: {  	[smem:$0x3F9F] =	sst lr;
	_ =	strace $0xD0000000  }
0x3: {  	_ = 	snop  }
0x4: {  	_ = 	snop  }
0x5: {  	_ = 	snop  }
0x6: {  	_ = 	snop  }
0x7: {  	_ = 	snop  }
__scs_overlays_trampoline_lowered:
0x8: {  	[smem:$0x3FAE] =	sst s0  }
0x9: {  	[smem:$0x3FAF] =	sst s1  }
0xa: {  	[smem:$0x3FB0] =	sst s2  }
0xb: {  	[smem:$0x3FB1] =	sst s3  }
0xc: {  	[smem:$0x3FB2] =	sst s4  }
0xd: {  	[smem:$0x3FB3] =	sst s5  }
0xe: {  	[smem:$0x3FB4] =	sst s6  }
0xf: {  	[smem:$0x3FB5] =	sst s7  }
0x10: {  	[smem:$0x3FB6] =	sst s8  }
0x11: {  	[smem:$0x3FB7] =	sst s9;
	s0 =	simm.s32 @!p0 $0x0  }
0x12: {  	s1 =	sld [smem:$0x3F9D];
	s0 =	simm.s32 @p0 $0x1  }
0x13: {  	[smem:$0x3FB8] =	sst s0;
	s0 =	simm.s32 @!p1 $0x0  }
0x14: {  	s2 =	sld [smem:$0x3F9C];
	s0 =	simm.s32 @p1 $0x1  }
0x15: {  	[smem:$0x3FB9] =	sst s0;
	s0 =	simm.s32 @!p2 $0x0  }
0x16: {  	s3 =	sld [smem:$0x3FDB];
	s0 =	simm.s32 @p2 $0x1  }
0x17: {  	s4 =	simm.s32 $0x1BF5;
	[smem:$0x3FBB] =	sst s0  }
0x18: {  	s0 =	sld [smem:$0x3F9E];
	_ =	swait.ge [sflag:s4], $0x0  }
0x19: {  	s7 =	sld [smem:$0x3F9F]  }
0x1a: {  	s8 =	sadd.s32 $0xFFFFE003, lr  }
0x1b: {  	s9 =	sadd.s32 $0xFFFFFEF7, lr;
	s5 =	simm.s32 $0xFFFFFFFF;
	p2 =	slt.u32 s8, $0xFFFFF086  }
0x1c: {  	p1 =	slt.u32 s9, $0xF7A;
	s5 =	simm.s32 @!p2 $0x0  }
0x1d: {  	s5 =	simm.s32 @p1 $0x1;
	p0 =	seq.s32 s7, s2  }
0x1e: {  	s7 =	smul.u32 @!p0 $0xF7A, s2;
	p2 =	seq.s32 @!p0 s5, $0x0  }
0x1f: {  	s9 =	smul.u32 $0xF7A, s1;
	s8 =	simm.s32 @!p0 $0x1BF5;
	p2 =	por !p2, p0  }
0x20: {  	[sflag:s8] =	ssyncset.s32 @!p0 $0xFFFFF086;
	s6 =	sadd.s32 @!p0 s3, s7;
	s7 =	simm.s32 @!p0 $0x108  }
0x21: {  	s3 =	sadd.s32 s3, s9;
	s6 =	sadd.s32 @!p0 $0x88, s6;
	s7 =	simm.s32 @p2 $0x1082  }
0x22: {  	[simem:s7], [sflag:s8] =	dma.local @!p0 [hbm:s6], $0xF7A  }
0x23: {  	s9 =	sor.u32 $0xD0000000, s2;
	s6 =	simm.s32 $0x108;
	_ =	swait.ge @!p0 [sflag:s8], $0x0  }
0x24: {  	s3 =	sadd.s32 $0x88, s3;
	s6 =	simm.s32 @!p1 $0x1082;
	[sflag:s4] =	ssyncset.s32 $0xFFFFF086  }
0x25: {  	[simem:s6], [sflag:s4] =	dma.local [hbm:s3], $0xF7A  }
0x26: {  	[smem:$0x3F9F] =	sst s1;
	(tag) =	ssettag s2;
	_ =	strace s9  }
0x27: {  	s1 =	sld [smem:$0x3FAF]  }
0x28: {  	s2 =	sld [smem:$0x3FB0]  }
0x29: {  	s4 =	sld [smem:$0x3FB2]  }
0x2a: {  	p0 =	seq.s32 s5, $0x0;
	s5 =	sld [smem:$0x3FB3]  }
0x2b: {  	s6 =	sld [smem:$0x3FB4]  }
0x2c: {  	s7 =	sld [smem:$0x3FB5]  }
0x2d: {  	s3 =	simm.s32 $0x108;
	s8 =	sld [smem:$0x3FB6]  }
0x2e: {  	s3 =	simm.s32 @!p0 $0x1082;
	s9 =	sld [smem:$0x3FB7]  }
0x2f: {  	lr =	sadd.s32 s0, s3;
	s0 =	sld [smem:$0x3FAE]  }
0x30: {  	s3 =	sld [smem:$0x3FB1]  }
0x31: {  	[smem:$0x3FBA] =	sst s10  }
0x32: {  	s10 =	sld [smem:$0x3FB8];
	_ =	sdelay $0x3  }
0x33: {  	p0 =	seq.s32 s10, $0x1;
	s10 =	sld [smem:$0x3FBA];
	_ =	sdelay $0x3  }
0x34: {  	[smem:$0x3FBA] =	sst s10  }
0x35: {  	s10 =	sld [smem:$0x3FB9];
	_ =	sdelay $0x3  }
0x36: {  	p1 =	seq.s32 s10, $0x1;
	s10 =	sld [smem:$0x3FBA];
	_ =	sdelay $0x3  }
0x37: {  	[smem:$0x3FBA] =	sst s10  }
0x38: {  	s10 =	sld [smem:$0x3FBB]  }
0x39: {  	_ = 	snop;
	(pc) =	sbr.ind lr, $3  }
0x3a: {  	_ = 	snop  }
0x3b: {  	_ = 	snop  }
0x3c: {  	p2 =	seq.s32 s10, $0x1;
	s10 =	sld [smem:$0x3FBA]  }
0x3d: {  	_ =	shalt  }
0x3e: {  	_ =	shalt  }
0x3f: {  	_ =	shalt  }
0x40: {  	_ =	shalt  }
0x41: {  	_ =	shalt  }
0x42: {  	_ =	shalt  }
0x43: {  	_ =	shalt  }
0x44: {  	_ =	shalt  }
0x45: {  	_ =	shalt  }
0x46: {  	_ =	shalt  }
0x47: {  	_ =	shalt  }
0x48: {  	_ =	shalt  }
0x49: {  	_ =	shalt  }
0x4a: {  	_ =	shalt  }
0x4b: {  	_ =	shalt  }
0x4c: {  	_ =	shalt  }
0x4d: {  	_ =	shalt  }
0x4e: {  	_ =	shalt  }
0x4f: {  	_ =	shalt  }
0x50: {  	_ =	shalt  }
0x51: {  	_ =	shalt  }
0x52: {  	_ =	shalt  }
0x53: {  	_ =	shalt  }
0x54: {  	_ =	shalt  }
0x55: {  	_ =	shalt  }
0x56: {  	_ =	shalt  }
0x57: {  	_ =	shalt  }
0x58: {  	_ =	shalt  }
0x59: {  	_ =	shalt  }
0x5a: {  	_ =	shalt  }
0x5b: {  	_ =	shalt  }
0x5c: {  	_ =	shalt  }
0x5d: {  	_ =	shalt  }
0x5e: {  	_ =	shalt  }
0x5f: {  	_ =	shalt  }
0x60: {  	_ =	shalt  }
0x61: {  	_ =	shalt  }
0x62: {  	_ =	shalt  }
0x63: {  	_ =	shalt  }
0x64: {  	_ =	shalt  }
0x65: {  	_ =	shalt  }
0x66: {  	_ =	shalt  }
0x67: {  	_ =	shalt  }
0x68: {  	_ =	shalt  }
0x69: {  	_ =	shalt  }
0x6a: {  	_ =	shalt  }
0x6b: {  	_ =	shalt  }
0x6c: {  	_ =	shalt  }
0x6d: {  	_ =	shalt  }
0x6e: {  	_ =	shalt  }
0x6f: {  	_ =	shalt  }
0x70: {  	_ =	shalt  }
0x71: {  	_ =	shalt  }
0x72: {  	_ =	shalt  }
0x73: {  	_ =	shalt  }
0x74: {  	_ =	shalt  }
0x75: {  	_ =	shalt  }
0x76: {  	_ =	shalt  }
0x77: {  	_ =	shalt  }
0x78: {  	_ =	shalt  }
0x79: {  	_ =	shalt  }
0x7a: {  	_ =	shalt  }
0x7b: {  	_ =	shalt  }
0x7c: {  	_ =	shalt  }
0x7d: {  	_ =	shalt  }
0x7e: {  	_ =	shalt  }
0x7f: {  	_ =	shalt  }
0x80: {  	_ =	shalt  }
0x81: {  	_ =	shalt  }
0x82: {  	_ =	shalt  }
0x83: {  	_ =	shalt  }
0x84: {  	_ =	shalt  }
0x85: {  	_ =	shalt  }
0x86: {  	_ =	shalt  }
0x87: {  	_ =	shalt  }
.Lfunc_end0:
.L_simem_size_0:
called_computation_lowered:
.L_overlay_start_0:
0x88: {  	s2 =	sld [smem:$0x3FD9]  }
0x89: {  	s3 =	sld [smem:$0x3FFE];
	_ =	sdelay $0x1  }
0x8a: {  	s1 =	srdreg.scid  }
0x8b: {  	s0 =	sand.u32 $0x1, s1  }
0x8c: {  	s17 =	sshll.u32 s0, $0xA;
	s2 =	sadd.s32 s3, s2  }
0x8d: {  	s2 =	sadd.s32 s2, s17  }
0x8e: {  	[smem:$0x3FC6] =	sst s2  }
0x8f: {  	_ = 	snop  }
0x90: {  	s2 =	sld [smem:$0x3FC9];
	(tm) =	ssettm $0x1  }
0x91: {  	s18 =	sld [smem:$0x3FFB];
	_ =	sdelay $0x3  }
0x92: {  	_ =	strace s18  }
0x93: {  	s3 =	sld [smem:$0x3FFC];
	_ =	sdelay $0x3  }
0x94: {  	_ =	strace s3  }
0x95: {  	s3 =	sld [smem:$0x3FFD];
	_ =	sdelay $0x3  }
0x96: {  	_ =	strace s3  }
0x97: {  	_ =	strace $0x8FFFFFFF  }
0x98: {  	s19 =	sld [smem:$0x3FDB];
	_ =	sdelay $0x1  }
0x99: {  	s4 =	simm.s32 $_scs_section_size  }
0x9a: {  	s5 =	simm.s32 $_size__tile_overlayer_lowered;
	s6 =	simm.s32 $_tile_overlayer_lowered  }
0x9b: {  	s22 =	simm.s32 $0x1BFF;
	s21 =	sshll.u32 s6, $0x1;
	s3 =	sadd.s32 s4, s19  }
0x9c: {  	s7 =	simm.s32 $0x0;
	s20 =	sshll.u32 s5, $0x1;
	s5 =	sadd.s32 s21, s3  }
0x9d: {  	[timem:s7], [sflag:s22] =	dma.local [hbm:s5], s20  }
0x9e: {  	_ =	swait.ge [sflag:s22], s20  }
0x9f: {  	s4 =	ssub.s32 $0x0, s20;
	[sflag:s22] =	ssyncset.done $0x0  }
0xa0: {  	[sflag:s22] =	ssyncadd.s32 s4;
	_ =	sdelay $0x1  }
0xa1: {  	s23 =	simm.s32 $0x1B8B  }
0xa2: {  	_ =	swait.ge [sflag:s23], $0x1  }
0xa3: {  	[sflag:s23] =	ssyncset.done $0x0  }
0xa4: {  	s25 =	simm.s32 $0x1B8E;
	s24 =	sld [smem:$0x3FFE];
	[sflag:s23] =	ssyncadd.s32 $0xFFFFFFFF  }
0xa5: {  	s26 =	simm.s32 $execute0_lowered;
	[smem:$0x3FD2] =	sst s25  }
0xa6: {  	s5 =	sshll.u32 s26, $0x1;
	_ =	strace $0x80000046;
	[dreg:$0x1] =	wrdreg $0xFFFFFFFF  }
0xa7: {  	s28 =	simm.s32 $_size_execute0_lowered;
	s3 =	sadd.s32 s3, s5;
	[dreg:$0x0] =	wrdreg $0x0  }
0xa8: {  	s5 =	sshll.u32 s28, $0x1;
	[dreg:$0x2] =	wrdreg s3  }
0xa9: {  	[dreg:$0x3] =	wrdreg s5  }
0xaa: {  	[dreg:$0x4] =	wrdreg $0xC0  }
0xab: {  	_ =	task [dreg:s7], $0x5FFFF  }
0xac: {  	[dreg:$0x1] =	wrdreg $0xFFFFFFFF  }
0xad: {  	[dreg:$0x0] =	wrdreg $0x60  }
0xae: {  	[dreg:$0x2] =	wrdreg s2  }
0xaf: {  	[dreg:$0x3] =	wrdreg s24  }
0xb0: {  	[dreg:$0x4] =	wrdreg $0x9  }
0xb1: {  	_ =	task.clear_ibuf [dreg:s7], $0x5FFFF;
	_ =	strace $0x90000046  }
0xb2: {  	s29 =	simm.s32 $0x9;
	_ =	strace $0x80000048  }
0xb3: {  	_ =	swait.ge [sflag:s29], $0x1  }
0xb4: {  	[sflag:s29] =	ssyncadd.s32 $0xFFFFFFFF  }
0xb5: {  	_ =	strace $0x90000048  }
0xb6: {  	_ =	sfence  }
0xb7: {  	s30 =	sld [smem:$0x0];
	_ =	sdelay $0x2  }
0xb8: {  	s31 =	sshll.u32 s1, $0xD;
	s1 =	sshrl.u32 s1, $0x2  }
0xb9: {  	s3 =	sand.u32 $0x4000, s31;
	s1 =	sadd.s32 s1, s30  }
0xba: {  	s0 =	sor.u32 s3, s0;
	s1 =	sshll.u32 s1, $0x11  }
0xbb: {  	s0 =	sor.u32 s1, s0  }
0xbc: {  	s0 =	sadd.s32 $0x8F2B, s0  }
0xbd: {  	[sflag:s0] =	ssyncadd.remote.s32 $0x1  }
0xbe: {  	_ =	sfence.sel $0xFFFF  }
0xbf: {  	[dreg:$0x0] =	wrdreg $0xFFFFFFFF;
	(pc) =	sbr.abs _section_cstart, $3  }
0xc0: {  	[dreg:$0x1] =	wrdreg $0xFFFFFFFF  }
0xc1: {  	_ =	task.clear_ibuf [dreg:s7], $0x2FFFF;
	_ =	strace $0x9FFFFFFF  }
0xc2: {  	(tm) =	ssettm $0x7FFFFFFF  }
0xc3: {  	_ =	shalt  }
tec
execute0_lowered:
.L_overlay_start_1:
0x0: {  	(tag) =	ssettag $0x1  }
0x1: {  	s4 =	rddreg [dreg:$0x0]  }
0x2: {  	s5 =	rddreg [dreg:$0x1]  }
0x3: {  	s0 =	rddreg [dreg:$0x2];
	s2 =	simm.s32 $0x0;
	s3 =	srdreg.scid  }
0x4: {  	s1 =	stileid.u32;
	s10 =	simm.s32 $0x0;
	s6 =	sand.u32 $0x1, s3  }
0x5: {  	[smem:$0x7FF] =	sst s2;
	s7 =	sshll.u32 s1, $0x8;
	s8 =	sshll.u32 s6, $0x7  }
0x6: {  	s3 =	sadd.s32 $0x400, s5;
	s6 =	ssub.s32 $0x2, s6;
	s7 =	sor.u32 s8, s7  }
0x7: {  	_ =	strace $0x80000047;
	s9 =	sshrl.u32 s6, $0x1;
	s8 =	sshll.u32 s7, $0x4  }
0x8: {  	s7 =	sshrl.u32 s7, $0x3;
	s6 =	ssub.s32 s6, s9;
	s9 =	simm.s32 $0x80  }
0x9: {  	s5 =	sadd.s32 s8, s5;
	s4 =	sadd.s32 s4, s7;
	s6 =	smax.u32 s6, $0x1  }
0xa: {  	s7 =	simm.s32 $0x2;
	s8 =	simm.s32 $0x1;
	s5 =	sadd.s32 $0x186E00, s5  }
.LBB2_1:
0xb: {  	[tilespmem:s2], [sflag:$0x2] =	stream.linear.gather [hbm4b:s4+s2], $0x80, $0x38;
	[tilespmem:$0x4080] =	vst v63  }
0xc: {  	_ =	swait.ge [sflag:s7], $0x80  }
0xd: {  	[sflag:s7] =	ssyncset.done $0x0  }
0xe: {  	s11 =	simm.s32 $0x0;
	s12 =	simm.s32 $0x0;
	[sflag:s7] =	ssyncadd.s32 $0xFFFFFF80  }
.LBB2_2:
0xf: {  	v0 =	vld [tilespmem:s11+$0x0];
	_ =	sdelay $0x4  }
0x10: {  	v1 =	vshra.s32 v0, $0x1F  }
0x11: {  	v1 =	vshrl.u32 v1, $0x1D  }
0x12: {  	v1 =	vadd.s32 v1, v0  }
0x13: {  	v1 =	vand.u32 $0xFFFFFFF8, v1  }
0x14: {  	v2 =	vshrl.u32 v0, $0x3;
	v0 =	vsub.s32 v0, v1  }
0x15: {  	(v2sf) =	vpush v0, $0x0;
	_ =	sdelay $0x1  }
0x16: {  	v63 =	vshll.u32 v2, $0xA  }
0x17: {  	(v2sf) =	vpush v63, $0x0;
	_ =	sdelay $0x2  }
0x18: {  	(v2sf) =	vpush v0, $0x1;
	_ =	sdelay $0x2  }
0x19: {  	(v2sf) =	vpush v63, $0x1;
	_ =	sdelay $0x2  }
0x1a: {  	(v2sf) =	vpush v0, $0x2;
	_ =	sdelay $0x2  }
0x1b: {  	s13 =	spop (v2sf);
	(v2sf) =	vpush v63, $0x2;
	_ =	sdelay $0x2  }
0x1c: {  	s14 =	sand.u32 $0xFFFFFC00, s13;
	s15 =	spop (v2sf);
	s13 =	sshll.u32 s13, $0x7;
	(v2sf) =	vpush v0, $0x3  }
0x1d: {  	s14 =	sadd.s32 s14, s15;
	s13 =	sand.u32 $0x380, s13  }
0x1e: {  	s14 =	sor.u32 s13, s14  }
0x1f: {  	s20 =	spop (v2sf);
	(v2sf) =	vpush v63, $0x3;
	s13 =	sshra.s32 s12, $0x2;
	s14 =	sshrl.u32 s14, $0x3  }
0x20: {  	s19 =	sadd.s32 $0x80, s13;
	s14 =	sadd.s32 s3, s14  }
0x21: {  	[tilespmem:s19], [sflag:$0x1] =	stream.linear.gather [hbm4b:s14+s2], $0x80, $0x38;
	[tilespmem:$0x4080] =	vst v63  }
0x22: {  	s21 =	sand.u32 $0xFFFFFC00, s20;
	s16 =	spop (v2sf);
	(v2sf) =	vpush v0, $0x4;
	s14 =	sshll.u32 s20, $0x7  }
0x23: {  	s15 =	sadd.s32 s21, s16;
	s14 =	sand.u32 $0x380, s14  }
0x24: {  	s14 =	sor.u32 s14, s15  }
0x25: {  	s23 =	spop (v2sf);
	(v2sf) =	vpush v63, $0x4;
	s14 =	sshrl.u32 s14, $0x3  }
0x26: {  	s22 =	sadd.s32 $0x100, s13;
	s14 =	sadd.s32 s3, s14  }
0x27: {  	[tilespmem:s22], [sflag:$0x1] =	stream.linear.gather [hbm4b:s14+s2], $0x80, $0x38;
	[tilespmem:$0x4080] =	vst v63  }
0x28: {  	s24 =	sand.u32 $0xFFFFFC00, s23;
	s14 =	sshll.u32 s23, $0x7;
	s25 =	spop (v2sf);
	(v2sf) =	vpush v0, $0x5  }
0x29: {  	s14 =	sand.u32 $0x380, s14;
	s15 =	sadd.s32 s24, s25  }
0x2a: {  	s14 =	sor.u32 s14, s15  }
0x2b: {  	s28 =	spop (v2sf);
	(v2sf) =	vpush v63, $0x5;
	s14 =	sshrl.u32 s14, $0x3  }
0x2c: {  	s26 =	sadd.s32 $0x180, s13;
	s14 =	sadd.s32 s3, s14  }
0x2d: {  	[tilespmem:s26], [sflag:$0x1] =	stream.linear.gather [hbm4b:s14+s2], $0x80, $0x38;
	[tilespmem:$0x4080] =	vst v63  }
0x2e: {  	s29 =	sand.u32 $0xFFFFFC00, s28;
	s30 =	spop (v2sf);
	(v2sf) =	vpush v0, $0x6;
	s14 =	sshll.u32 s28, $0x7  }
0x2f: {  	s15 =	sadd.s32 s29, s30;
	s14 =	sand.u32 $0x380, s14  }
0x30: {  	s14 =	sor.u32 s14, s15  }
0x31: {  	s15 =	spop (v2sf);
	(v2sf) =	vpush v63, $0x6;
	s14 =	sshrl.u32 s14, $0x3  }
0x32: {  	s31 =	sadd.s32 $0x200, s13;
	s14 =	sadd.s32 s3, s14  }
0x33: {  	[tilespmem:s31], [sflag:$0x1] =	stream.linear.gather [hbm4b:s14+s2], $0x80, $0x38;
	[tilespmem:$0x4080] =	vst v63  }
0x34: {  	s16 =	sand.u32 $0xFFFFFC00, s15;
	s17 =	spop (v2sf);
	(v2sf) =	vpush v0, $0x7;
	s14 =	sshll.u32 s15, $0x7  }
0x35: {  	s15 =	sadd.s32 s16, s17;
	s14 =	sand.u32 $0x380, s14  }
0x36: {  	s14 =	sor.u32 s14, s15  }
0x37: {  	s14 =	sshrl.u32 s14, $0x3;
	s19 =	spop (v2sf);
	(v2sf) =	vpush v63, $0x7  }
0x38: {  	s18 =	sadd.s32 $0x280, s13;
	s14 =	sadd.s32 s3, s14  }
0x39: {  	[tilespmem:s18], [sflag:$0x1] =	stream.linear.gather [hbm4b:s14+s2], $0x80, $0x38;
	[tilespmem:$0x4080] =	vst v63  }
0x3a: {  	s20 =	sand.u32 $0xFFFFFC00, s19;
	s21 =	spop (v2sf);
	s14 =	sshll.u32 s19, $0x7;
	(v2sf) =	vpush v0, $0x8  }
0x3b: {  	s15 =	sadd.s32 s20, s21;
	s14 =	sand.u32 $0x380, s14  }
0x3c: {  	s14 =	sor.u32 s14, s15  }
0x3d: {  	s23 =	spop (v2sf);
	(v2sf) =	vpush v63, $0x8;
	s14 =	sshrl.u32 s14, $0x3  }
0x3e: {  	s22 =	sadd.s32 $0x300, s13;
	s14 =	sadd.s32 s3, s14  }
0x3f: {  	[tilespmem:s22], [sflag:$0x1] =	stream.linear.gather [hbm4b:s14+s2], $0x80, $0x38;
	[tilespmem:$0x4080] =	vst v63  }
0x40: {  	s24 =	sand.u32 $0xFFFFFC00, s23;
	s14 =	sshll.u32 s23, $0x7;
	s25 =	spop (v2sf);
	(v2sf) =	vpush v0, $0x9  }
0x41: {  	s14 =	sand.u32 $0x380, s14;
	s15 =	sadd.s32 s24, s25  }
0x42: {  	s14 =	sor.u32 s14, s15  }
0x43: {  	s28 =	spop (v2sf);
	(v2sf) =	vpush v63, $0x9;
	s14 =	sshrl.u32 s14, $0x3  }
0x44: {  	s26 =	sadd.s32 $0x380, s13;
	s14 =	sadd.s32 s3, s14  }
0x45: {  	[tilespmem:s26], [sflag:$0x1] =	stream.linear.gather [hbm4b:s14+s2], $0x80, $0x38;
	[tilespmem:$0x4080] =	vst v63  }
0x46: {  	s29 =	sand.u32 $0xFFFFFC00, s28;
	s14 =	sshll.u32 s28, $0x7;
	s30 =	spop (v2sf);
	(v2sf) =	vpush v0, $0xA  }
0x47: {  	s14 =	sand.u32 $0x380, s14;
	s15 =	sadd.s32 s29, s30  }
0x48: {  	s14 =	sor.u32 s14, s15  }
0x49: {  	s15 =	spop (v2sf);
	(v2sf) =	vpush v63, $0xA;
	s14 =	sshrl.u32 s14, $0x3  }
0x4a: {  	s31 =	sadd.s32 $0x400, s13;
	s14 =	sadd.s32 s3, s14  }
0x4b: {  	[tilespmem:s31], [sflag:$0x1] =	stream.linear.gather [hbm4b:s14+s2], $0x80, $0x38;
	[tilespmem:$0x4080] =	vst v63  }
0x4c: {  	s16 =	sand.u32 $0xFFFFFC00, s15;
	s17 =	spop (v2sf);
	s14 =	sshll.u32 s15, $0x7  }
0x4d: {  	(v2sf) =	vpush v0, $0xB;
	s15 =	sadd.s32 s16, s17;
	s14 =	sand.u32 $0x380, s14  }
0x4e: {  	s14 =	sor.u32 s14, s15  }
0x4f: {  	s19 =	spop (v2sf);
	(v2sf) =	vpush v63, $0xB;
	s14 =	sshrl.u32 s14, $0x3  }
0x50: {  	s18 =	sadd.s32 $0x480, s13;
	s14 =	sadd.s32 s3, s14  }
0x51: {  	[tilespmem:s18], [sflag:$0x1] =	stream.linear.gather [hbm4b:s14+s2], $0x80, $0x38;
	[tilespmem:$0x4080] =	vst v63  }
0x52: {  	s20 =	sand.u32 $0xFFFFFC00, s19;
	s21 =	spop (v2sf);
	s14 =	sshll.u32 s19, $0x7  }
0x53: {  	(v2sf) =	vpush v0, $0xC;
	s15 =	sadd.s32 s20, s21;
	s14 =	sand.u32 $0x380, s14  }
0x54: {  	s14 =	sor.u32 s14, s15  }
0x55: {  	s14 =	sshrl.u32 s14, $0x3;
	s23 =	spop (v2sf);
	(v2sf) =	vpush v63, $0xC  }
0x56: {  	s22 =	sadd.s32 $0x500, s13;
	s14 =	sadd.s32 s3, s14  }
0x57: {  	[tilespmem:s22], [sflag:$0x1] =	stream.linear.gather [hbm4b:s14+s2], $0x80, $0x38;
	(v2sf) =	vpush v0, $0xD;
	[tilespmem:$0x4080] =	vst v63  }
0x58: {  	s24 =	sand.u32 $0xFFFFFC00, s23;
	s14 =	sshll.u32 s23, $0x7;
	s25 =	spop (v2sf);
	(v2sf) =	vpush v63, $0xD  }
0x59: {  	s14 =	sand.u32 $0x380, s14;
	s15 =	sadd.s32 s24, s25  }
0x5a: {  	s14 =	sor.u32 s14, s15  }
0x5b: {  	s14 =	sshrl.u32 s14, $0x3  }
0x5c: {  	s26 =	sadd.s32 $0x580, s13;
	s28 =	spop (v2sf);
	(v2sf) =	vpush v0, $0xE;
	s14 =	sadd.s32 s3, s14  }
0x5d: {  	[tilespmem:s26], [sflag:$0x1] =	stream.linear.gather [hbm4b:s14+s2], $0x80, $0x38;
	[tilespmem:$0x4080] =	vst v63  }
0x5e: {  	s29 =	sand.u32 $0xFFFFFC00, s28;
	s30 =	spop (v2sf);
	s14 =	sshll.u32 s28, $0x7;
	(v2sf) =	vpush v63, $0xE  }
0x5f: {  	s15 =	sadd.s32 s29, s30;
	s14 =	sand.u32 $0x380, s14  }
0x60: {  	s14 =	sor.u32 s14, s15  }
0x61: {  	s14 =	sshrl.u32 s14, $0x3  }
0x62: {  	s31 =	sadd.s32 $0x600, s13;
	s16 =	spop (v2sf);
	s14 =	sadd.s32 s3, s14  }
0x63: {  	[tilespmem:s31], [sflag:$0x1] =	stream.linear.gather [hbm4b:s14+s2], $0x80, $0x38;
	[tilespmem:$0x4080] =	vst v63  }
0x64: {  	s17 =	sand.u32 $0xFFFFFC00, s16;
	s14 =	sshll.u32 s16, $0x7;
	s18 =	spop (v2sf)  }
0x65: {  	s14 =	sand.u32 $0x380, s14;
	(v2sf) =	vpush v63, $0xF;
	s15 =	sadd.s32 s17, s18  }
0x66: {  	(v2sf) =	vpush v0, $0xF;
	s19 =	spop (v2sf);
	s14 =	sor.u32 s14, s15  }
0x67: {  	s20 =	sadd.s32 $0x680, s13;
	s21 =	spop (v2sf);
	s14 =	sshrl.u32 s14, $0x3  }
0x68: {  	s22 =	sand.u32 $0xFFFFFC00, s19;
	s15 =	sshll.u32 s19, $0x7;
	s14 =	sadd.s32 s3, s14  }
0x69: {  	[tilespmem:s20], [sflag:$0x1] =	stream.linear.gather [hbm4b:s14+s2], $0x80, $0x38;
	[tilespmem:$0x4080] =	vst v63  }
0x6a: {  	s15 =	sand.u32 $0x380, s15;
	s14 =	sadd.s32 s22, s21  }
0x6b: {  	s23 =	spop (v2sf);
	s14 =	sor.u32 s15, s14  }
0x6c: {  	s24 =	sadd.s32 $0x700, s13;
	s26 =	sand.u32 $0xFFFFFC00, s23;
	s14 =	sshrl.u32 s14, $0x3  }
0x6d: {  	s15 =	sshll.u32 s23, $0x7;
	s25 =	spop (v2sf);
	s14 =	sadd.s32 s3, s14  }
0x6e: {  	[tilespmem:s24], [sflag:$0x1] =	stream.linear.gather [hbm4b:s14+s2], $0x80, $0x38;
	[tilespmem:$0x4080] =	vst v63  }
0x6f: {  	s15 =	sand.u32 $0x380, s15;
	s14 =	sadd.s32 s26, s25  }
0x70: {  	s14 =	sor.u32 s15, s14  }
0x71: {  	s14 =	sshrl.u32 s14, $0x3  }
0x72: {  	s29 =	sadd.s32 $0x780, s13;
	s14 =	sadd.s32 s3, s14  }
0x73: {  	[tilespmem:s29], [sflag:$0x1] =	stream.linear.gather [hbm4b:s14+s2], $0x80, $0x38;
	[tilespmem:$0x4080] =	vst v63  }
0x74: {  	s28 =	spop (v2sf)  }
0x75: {  	s30 =	spop (v2sf)  }
0x76: {  	p0 =	sne.s32 s12, $0xE000;
	s31 =	sand.u32 $0xFFFFFC00, s30;
	s14 =	sshll.u32 s30, $0x7  }
.Ltmp0:
0x77: {  	s15 =	sadd.s32 s31, s28;
	s14 =	sand.u32 $0x380, s14;
	(pc) =	sbr.rel @p0 .LBB2_2-.Ltmp0, $4  }
0x78: {  	s14 =	sor.u32 s14, s15  }
0x79: {  	s11 =	sadd.s32 $0x10, s11;
	s14 =	sshrl.u32 s14, $0x3  }
0x7a: {  	s12 =	sadd.s32 $0x2000, s12;
	s13 =	sadd.s32 $0x800, s13;
	s14 =	sadd.s32 s3, s14  }
0x7b: {  	[tilespmem:s13], [sflag:$0x1] =	stream.linear.gather [hbm4b:s14+s2], $0x80, $0x38;
	[tilespmem:$0x4080] =	vst v63  }
0x7c: {  	_ =	swait.ge [sflag:s8], $0x4000;
	s10 =	sadd.s32 $0x1, s10  }
0x7d: {  	[sflag:s8] =	ssyncset.done $0x0;
	p0 =	sne.s32 s10, s6  }
.Ltmp1:
0x7e: {  	[sflag:s8] =	ssyncadd.s32 $0xFFFFC000;
	(pc) =	sbr.rel @p0 .LBB2_1-.Ltmp1, $4  }
0x7f: {  	[hbm4b:s5+s2] =	stream.linear.scatter [tilespmem:s9], [sflag:$0x2], $0x4000, $0x38;
	[tilespmem:$0x4080] =	vst v63  }
0x80: {  	_ =	swait.ge [sflag:s7], $0x4000  }
0x81: {  	[sflag:s7] =	ssyncset.done $0x0  }
0x82: {  	[sflag:s7] =	ssyncadd.s32 $0xFFFFC000  }
0x83: {  	_ =	sfence.sel $0x180000  }
0x84: {  	[bflag:$0x0] =	sbarrier.arrive $0xFFFF  }
0x85: {  	p0 =	sne.s32 s1, $0x0;
	_ =	strace $0x90000047  }
0x86: {  	s0 =	sadd.s32 @!p0 $0x100000, s0;
	[bflag:$0x2] =	sbarrier.arrive $0xFFFF  }
0x87: {  	[sflag:s0] =	ssyncadd.tile.s32 @!p0 $0x1;
	_ =	shalt  }
.Lfunc_end2:
_tile_overlayer_lowered:
.L_overlay_start_2:
0x88: {  	(tag) =	ssettag $0x2  }
0x89: {  	s0 =	rddreg [dreg:$0x0];
	s2 =	stileid.u32  }
0x8a: {  	s1 =	rddreg [dreg:$0x1];
	p0 =	sne.s32 s2, $0x0  }
0x8b: {  	s3 =	rddreg [dreg:$0x2];
	[bflag:$0x3] =	sbarrier.arrive $0xFFFF;
	s2 =	simm.s32 @!p0 $0x1C02  }
0x8c: {  	[timem:s3], [sflag:s2] =	dma.local @!p0 [hbm:s0], s1  }
0x8d: {  	s0 =	simm.s32 @!p0 $0x2  }
0x8e: {  	_ =	swait.ge @!p0 [sflag:s0], s1  }
0x8f: {  	s1 =	ssub.s32 @!p0 $0x0, s1;
	[sflag:s0] =	ssyncset.done @!p0 $0x0  }
0x90: {  	[sflag:s0] =	ssyncadd.s32 @!p0 s1  }
0x91: {  	[bflag:$0x3] =	sbarrier.arrive $0xFFFF  }
0x92: {  	_ =	shalt  }

</sc_bundles>
